<compile_context>
chip_gen: v7x
topology: tpu7x:2x2x1
jax: 0.10.2.dev20260603
libtpu: 0.0.44.dev20260713+nightly
codegen_flags: <defaults>
</compile_context>

<pallas_src>
import functools

import jax
import jax.numpy as jnp
from jax import lax
from jax.experimental import pallas as pl
from jax.experimental.pallas import tpu as pltpu
from jax.experimental.pallas import tpu_sc as plsc

N_ATOMS = 100000
NUM_TYPES = 64
LANES = 16
CHUNK = 6400
LAST_BASE = N_ATOMS - CHUNK

_mesh = plsc.VectorSubcoreMesh(core_axis_name="c", subcore_axis_name="s",
                               num_cores=1)


@functools.partial(
    pl.kernel,
    mesh=_mesh,
    out_type=jax.ShapeDtypeStruct((N_ATOMS,), jnp.float32),
    compiler_params=pltpu.CompilerParams(needs_layout_passes=False),
    scratch_types=[
        pltpu.VMEM((CHUNK,), jnp.int32),
        pltpu.VMEM((CHUNK,), jnp.float32),
        pltpu.VMEM((CHUNK,), jnp.float32),
        pltpu.VMEM((NUM_TYPES,), jnp.float32),
        pltpu.VMEM((NUM_TYPES,), jnp.float32),
        pltpu.SemaphoreType.DMA,
    ],
)
def _scale_shift_sc(x_hbm, t_hbm, scales_hbm, shifts_hbm, out_hbm,
                    idx_v, x_v, o_v, sc_v, sh_v, sem):
    wid = lax.axis_index("s")
    base = jnp.minimum(wid * CHUNK, LAST_BASE)

    c1 = pltpu.async_copy(t_hbm.at[pl.ds(base, CHUNK)], idx_v, sem)
    c2 = pltpu.async_copy(x_hbm.at[pl.ds(base, CHUNK)], x_v, sem)
    c3 = pltpu.async_copy(scales_hbm, sc_v, sem)
    c4 = pltpu.async_copy(shifts_hbm, sh_v, sem)
    c1.wait()
    c2.wait()
    c3.wait()
    c4.wait()

    @plsc.parallel_loop(0, CHUNK, LANES, unroll=8)
    def _(i):
        sl = pl.ds(i, LANES)
        idx = idx_v[sl]
        s = plsc.load_gather(sc_v, [idx])
        b = plsc.load_gather(sh_v, [idx])
        o_v[sl] = b + s * x_v[sl]

    pltpu.sync_copy(o_v, out_hbm.at[pl.ds(base, CHUNK)])


def kernel(atomic_energy, atom_types, scales, shifts):
    x = atomic_energy.reshape(-1).astype(jnp.float32)
    t = atom_types.reshape(-1).astype(jnp.int32)
    out = _scale_shift_sc(x, t, scales.astype(jnp.float32),
                          shifts.astype(jnp.float32))
    return out.reshape(-1, 1)

# --- scband reference (transcript-rebuilt; emitter-appended) ---
"""Pipeline reference for scband-per-type-scale-shift-26293789786667 (READ-ONLY COPY).

The authoritative reference and input builder live on the scoring server;
editing this copy changes nothing except your own understanding.
"""

import jax, jax.numpy as jnp
import numpy as np

NUM_TYPES = 64
N_ATOMS = 100000


def setup_inputs(seed: int = 0) -> dict:
    key = jax.random.key(seed)
    k1, k2, k3, k4 = jax.random.split(key, 4)
    atomic_energy = jax.random.normal(k1, (N_ATOMS, 1), dtype=jnp.float32)
    atom_types = jax.random.randint(k2, (N_ATOMS,), 0, NUM_TYPES)
    # Learnable per-type parameters. In the torch module, scales=1.0/shifts=0.0 with
    # trainable=True get expanded to per-type vectors of length num_types; we perturb
    # them slightly so the computation is non-trivial.
    scales = 1.0 + 0.1 * jax.random.normal(k3, (NUM_TYPES,), dtype=jnp.float32)
    shifts = 0.1 * jax.random.normal(k4, (NUM_TYPES,), dtype=jnp.float32)
    return {
        "atomic_energy": atomic_energy,
        "atom_types": atom_types,
        "scales": scales,
        "shifts": shifts,
    }


def reference(atomic_energy, atom_types, scales, shifts):
    # PerTypeScaleShift.forward: per-atom gather of per-type scale/shift,
    # then out = shifts + scales * in_field (torch.addcmul).
    # Cast to the module's "global dtype"; we use float32 here (float64 needs x64 mode).
    types = atom_types.reshape(-1)
    s = jnp.take(scales, types, axis=0).reshape(-1, 1)  # index_select -> gather
    b = jnp.take(shifts, types, axis=0).reshape(-1, 1)
    x = atomic_energy.astype(jnp.float32)
    out = b + s * x  # addcmul(shifts, scales, in_field)
    return out

if __name__ == "__main__":
    import jax
    _d = setup_inputs()
    print(jax.jit(kernel)(*tuple(_d.values())))

</pallas_src>

<mosaic_0001>
#map = affine_map<(d0, d1) -> (0)>
module attributes {stable_mosaic.version = 14 : i64} {
  func.func @_scale_shift_sc(%arg0: i32, %arg1: i32, %arg2: memref<100000xf32, #tpu.memory_space<hbm>>, %arg3: memref<100000xi32, #tpu.memory_space<hbm>>, %arg4: memref<64xf32, #tpu.memory_space<hbm>>, %arg5: memref<64xf32, #tpu.memory_space<hbm>>, %arg6: memref<100000xf32, #tpu.memory_space<hbm>>, %arg7: memref<6400xi32, #tpu.memory_space<vmem>>, %arg8: memref<6400xf32, #tpu.memory_space<vmem>>, %arg9: memref<6400xf32, #tpu.memory_space<vmem>>, %arg10: memref<64xf32, #tpu.memory_space<vmem>>, %arg11: memref<64xf32, #tpu.memory_space<vmem>>, %arg12: memref<!tpu.dma_semaphore, #tpu.memory_space<semaphore_mem>>) attributes {dimension_semantics = [#tpu.dimension_semantics<core_parallel>, #tpu.dimension_semantics<subcore_parallel>], iteration_bounds = array<i64: 1, 16>, scalar_prefetch = 0 : i64, scratch_operands = 6 : i64, tpu.core_type = #tpu.core_type<sc_vector_subcore>, window_params = [{transform_indices = #map}, {transform_indices = #map}, {transform_indices = #map}, {transform_indices = #map}, {transform_indices = #map}]} {
    %mul3A = arith.constant 6400 : i32
    %mul3A_0 = arith.muli %arg1, %mul3A : i32
    %min3A = arith.constant 93600 : i32
    %min3A_1 = arith.minsi %mul3A_0, %min3A : i32
    %dma_start3A = tpu.memref_slice %arg3[%min3A_1] : memref<100000xi32, #tpu.memory_space<hbm>> -> memref<6400xi32, #tpu.memory_space<hbm>>
    %dma_start3A_2 = tpu.memref_slice %arg3[%min3A_1] : memref<100000xi32, #tpu.memory_space<hbm>> -> memref<6400xi32, #tpu.memory_space<hbm>>
    tpu.enqueue_dma source(%dma_start3A_2 : memref<6400xi32, #tpu.memory_space<hbm>>) target(%arg7 : memref<6400xi32, #tpu.memory_space<vmem>>) target_semaphore(%arg12 : memref<!tpu.dma_semaphore, #tpu.memory_space<semaphore_mem>>)
    %dma_start3A_3 = tpu.memref_slice %arg2[%min3A_1] : memref<100000xf32, #tpu.memory_space<hbm>> -> memref<6400xf32, #tpu.memory_space<hbm>>
    %dma_start3A_4 = tpu.memref_slice %arg2[%min3A_1] : memref<100000xf32, #tpu.memory_space<hbm>> -> memref<6400xf32, #tpu.memory_space<hbm>>
    tpu.enqueue_dma source(%dma_start3A_4 : memref<6400xf32, #tpu.memory_space<hbm>>) target(%arg8 : memref<6400xf32, #tpu.memory_space<vmem>>) target_semaphore(%arg12 : memref<!tpu.dma_semaphore, #tpu.memory_space<semaphore_mem>>)
    tpu.enqueue_dma source(%arg4 : memref<64xf32, #tpu.memory_space<hbm>>) target(%arg10 : memref<64xf32, #tpu.memory_space<vmem>>) target_semaphore(%arg12 : memref<!tpu.dma_semaphore, #tpu.memory_space<semaphore_mem>>)
    tpu.enqueue_dma source(%arg5 : memref<64xf32, #tpu.memory_space<hbm>>) target(%arg11 : memref<64xf32, #tpu.memory_space<vmem>>) target_semaphore(%arg12 : memref<!tpu.dma_semaphore, #tpu.memory_space<semaphore_mem>>)
    %dma_wait3A = tpu.memref_slice %arg3[%min3A_1] : memref<100000xi32, #tpu.memory_space<hbm>> -> memref<6400xi32, #tpu.memory_space<hbm>>
    %dma_wait3A_5 = tpu.memref_slice %arg3[%min3A_1] : memref<100000xi32, #tpu.memory_space<hbm>> -> memref<6400xi32, #tpu.memory_space<hbm>>
    tpu.wait_dma2 semaphore(%arg12 : memref<!tpu.dma_semaphore, #tpu.memory_space<semaphore_mem>>) src(%dma_wait3A_5 : memref<6400xi32, #tpu.memory_space<hbm>>) dst(%arg7 : memref<6400xi32, #tpu.memory_space<vmem>>)
    %dma_wait3A_6 = tpu.memref_slice %arg2[%min3A_1] : memref<100000xf32, #tpu.memory_space<hbm>> -> memref<6400xf32, #tpu.memory_space<hbm>>
    %dma_wait3A_7 = tpu.memref_slice %arg2[%min3A_1] : memref<100000xf32, #tpu.memory_space<hbm>> -> memref<6400xf32, #tpu.memory_space<hbm>>
    tpu.wait_dma2 semaphore(%arg12 : memref<!tpu.dma_semaphore, #tpu.memory_space<semaphore_mem>>) src(%dma_wait3A_7 : memref<6400xf32, #tpu.memory_space<hbm>>) dst(%arg8 : memref<6400xf32, #tpu.memory_space<vmem>>)
    tpu.wait_dma2 semaphore(%arg12 : memref<!tpu.dma_semaphore, #tpu.memory_space<semaphore_mem>>) src(%arg4 : memref<64xf32, #tpu.memory_space<hbm>>) dst(%arg10 : memref<64xf32, #tpu.memory_space<vmem>>)
    tpu.wait_dma2 semaphore(%arg12 : memref<!tpu.dma_semaphore, #tpu.memory_space<semaphore_mem>>) src(%arg5 : memref<64xf32, #tpu.memory_space<hbm>>) dst(%arg11 : memref<64xf32, #tpu.memory_space<vmem>>)
    %parallel_loop3A = arith.constant 0 : i32
    %parallel_loop3A_8 = arith.constant 6400 : i32
    %parallel_loop3A_9 = arith.constant 16 : i32
    scf.for %parallel_loop3A_10 = %parallel_loop3A to %parallel_loop3A_8 step %parallel_loop3A_9  : i32 {
      %parallel_loop3A_11 = arith.index_cast %parallel_loop3A_10 : i32 to index
      %parallel_loop3A_12 = tpu.vector_load %arg7[%parallel_loop3A_11] {strides = array<i32>} : memref<6400xi32, #tpu.memory_space<vmem>>, vector<16xi32>,
      %parallel_loop3A_13 = tpu.vector_load_idx %arg10[%parallel_loop3A_12] : memref<64xf32, #tpu.memory_space<vmem>>[vector<16xi32>], vector<16xf32>,
      %parallel_loop3A_14 = tpu.vector_load_idx %arg11[%parallel_loop3A_12] : memref<64xf32, #tpu.memory_space<vmem>>[vector<16xi32>], vector<16xf32>,
      %parallel_loop3A_15 = arith.index_cast %parallel_loop3A_10 : i32 to index
      %parallel_loop3A_16 = tpu.vector_load %arg8[%parallel_loop3A_15] {strides = array<i32>} : memref<6400xf32, #tpu.memory_space<vmem>>, vector<16xf32>,
      %parallel_loop3A_17 = arith.mulf %parallel_loop3A_13, %parallel_loop3A_16 : vector<16xf32>
      %parallel_loop3A_18 = arith.addf %parallel_loop3A_14, %parallel_loop3A_17 : vector<16xf32>
      %parallel_loop3A_19 = arith.index_cast %parallel_loop3A_10 : i32 to index
      %parallel_loop3A_20 = tpu.vector_load %arg9[%parallel_loop3A_19] {strides = array<i32>} : memref<6400xf32, #tpu.memory_space<vmem>>, vector<16xf32>,
      tpu.vector_store %arg9[%parallel_loop3A_19], %parallel_loop3A_18 {strides = array<i32>} : memref<6400xf32, #tpu.memory_space<vmem>>, vector<16xf32>,
    } {sc.loop_unroll_factor = 8 : i64, sc.parallel_access}
    "tpu.region"() ({
      %run_scoped3A = tpu.sem_alloc : memref<!tpu.dma_semaphore, #tpu.memory_space<semaphore_mem>>
      %dma_start3A_10 = tpu.memref_slice %arg6[%min3A_1] : memref<100000xf32, #tpu.memory_space<hbm>> -> memref<6400xf32, #tpu.memory_space<hbm>>
      %dma_start3A_11 = tpu.memref_slice %arg6[%min3A_1] : memref<100000xf32, #tpu.memory_space<hbm>> -> memref<6400xf32, #tpu.memory_space<hbm>>
      tpu.enqueue_dma source(%arg9 : memref<6400xf32, #tpu.memory_space<vmem>>) target(%dma_start3A_11 : memref<6400xf32, #tpu.memory_space<hbm>>) target_semaphore(%run_scoped3A : memref<!tpu.dma_semaphore, #tpu.memory_space<semaphore_mem>>)
      %dma_wait3A_12 = tpu.memref_slice %arg6[%min3A_1] : memref<100000xf32, #tpu.memory_space<hbm>> -> memref<6400xf32, #tpu.memory_space<hbm>>
      %dma_wait3A_13 = tpu.memref_slice %arg6[%min3A_1] : memref<100000xf32, #tpu.memory_space<hbm>> -> memref<6400xf32, #tpu.memory_space<hbm>>
      tpu.wait_dma2 semaphore(%run_scoped3A : memref<!tpu.dma_semaphore, #tpu.memory_space<semaphore_mem>>) src(%arg9 : memref<6400xf32, #tpu.memory_space<vmem>>) dst(%dma_wait3A_13 : memref<6400xf32, #tpu.memory_space<hbm>>)
      tpu.yield
    }) : () -> ()
    return
  }
}

</mosaic_0001>

<sc_bundles>
// kernel: kernel.3.cloned.1.call-start
scs
__scs_entry_jumppad:
0x0: {  	(pc) =	sbr.rel $0x88, $3  }
0x1: {  	(tag) =	ssettag $0x0;
	lr =	simm.s32 $0x1  }
0x2: {  	[smem:$0x3F9D] =	sst lr;
	_ =	strace $0xD0000000  }
0x3: {  	_ = 	snop  }
0x4: {  	_ = 	snop  }
0x5: {  	_ = 	snop  }
0x6: {  	_ = 	snop  }
0x7: {  	_ = 	snop  }
__scs_overlays_trampoline_lowered:
0x8: {  	[smem:$0x3FAC] =	sst s0  }
0x9: {  	[smem:$0x3FAD] =	sst s1  }
0xa: {  	[smem:$0x3FAE] =	sst s2  }
0xb: {  	[smem:$0x3FAF] =	sst s3  }
0xc: {  	[smem:$0x3FB0] =	sst s4  }
0xd: {  	[smem:$0x3FB1] =	sst s5  }
0xe: {  	[smem:$0x3FB2] =	sst s6  }
0xf: {  	[smem:$0x3FB3] =	sst s7  }
0x10: {  	[smem:$0x3FB4] =	sst s8  }
0x11: {  	[smem:$0x3FB5] =	sst s9;
	s0 =	simm.s32 @!p0 $0x0  }
0x12: {  	s1 =	sld [smem:$0x3F9B];
	s0 =	simm.s32 @p0 $0x1  }
0x13: {  	[smem:$0x3FB6] =	sst s0;
	s0 =	simm.s32 @!p1 $0x0  }
0x14: {  	s2 =	sld [smem:$0x3F9A];
	s0 =	simm.s32 @p1 $0x1  }
0x15: {  	[smem:$0x3FB7] =	sst s0;
	s0 =	simm.s32 @!p2 $0x0  }
0x16: {  	s3 =	sld [smem:$0x3FDB];
	s0 =	simm.s32 @p2 $0x1  }
0x17: {  	s4 =	simm.s32 $0x1BF5;
	[smem:$0x3FB9] =	sst s0  }
0x18: {  	s0 =	sld [smem:$0x3F9C];
	_ =	swait.ge [sflag:s4], $0x0  }
0x19: {  	s7 =	sld [smem:$0x3F9D]  }
0x1a: {  	s8 =	sadd.s32 $0xFFFFE003, lr  }
0x1b: {  	s9 =	sadd.s32 $0xFFFFFEF7, lr;
	s5 =	simm.s32 $0xFFFFFFFF;
	p2 =	slt.u32 s8, $0xFFFFF086  }
0x1c: {  	p1 =	slt.u32 s9, $0xF7A;
	s5 =	simm.s32 @!p2 $0x0  }
0x1d: {  	s5 =	simm.s32 @p1 $0x1;
	p0 =	seq.s32 s7, s2  }
0x1e: {  	s7 =	smul.u32 @!p0 $0xF7A, s2;
	p2 =	seq.s32 @!p0 s5, $0x0  }
0x1f: {  	s9 =	smul.u32 $0xF7A, s1;
	s8 =	simm.s32 @!p0 $0x1BF5;
	p2 =	por !p2, p0  }
0x20: {  	[sflag:s8] =	ssyncset.s32 @!p0 $0xFFFFF086;
	s6 =	sadd.s32 @!p0 s3, s7;
	s7 =	simm.s32 @!p0 $0x108  }
0x21: {  	s3 =	sadd.s32 s3, s9;
	s6 =	sadd.s32 @!p0 $0x88, s6;
	s7 =	simm.s32 @p2 $0x1082  }
0x22: {  	[simem:s7], [sflag:s8] =	dma.local @!p0 [hbm:s6], $0xF7A  }
0x23: {  	s9 =	sor.u32 $0xD0000000, s2;
	s6 =	simm.s32 $0x108;
	_ =	swait.ge @!p0 [sflag:s8], $0x0  }
0x24: {  	s3 =	sadd.s32 $0x88, s3;
	s6 =	simm.s32 @!p1 $0x1082;
	[sflag:s4] =	ssyncset.s32 $0xFFFFF086  }
0x25: {  	[simem:s6], [sflag:s4] =	dma.local [hbm:s3], $0xF7A  }
0x26: {  	[smem:$0x3F9D] =	sst s1;
	(tag) =	ssettag s2;
	_ =	strace s9  }
0x27: {  	s1 =	sld [smem:$0x3FAD]  }
0x28: {  	s2 =	sld [smem:$0x3FAE]  }
0x29: {  	s4 =	sld [smem:$0x3FB0]  }
0x2a: {  	p0 =	seq.s32 s5, $0x0;
	s5 =	sld [smem:$0x3FB1]  }
0x2b: {  	s6 =	sld [smem:$0x3FB2]  }
0x2c: {  	s7 =	sld [smem:$0x3FB3]  }
0x2d: {  	s3 =	simm.s32 $0x108;
	s8 =	sld [smem:$0x3FB4]  }
0x2e: {  	s3 =	simm.s32 @!p0 $0x1082;
	s9 =	sld [smem:$0x3FB5]  }
0x2f: {  	lr =	sadd.s32 s0, s3;
	s0 =	sld [smem:$0x3FAC]  }
0x30: {  	s3 =	sld [smem:$0x3FAF]  }
0x31: {  	[smem:$0x3FB8] =	sst s10  }
0x32: {  	s10 =	sld [smem:$0x3FB6];
	_ =	sdelay $0x3  }
0x33: {  	p0 =	seq.s32 s10, $0x1;
	s10 =	sld [smem:$0x3FB8];
	_ =	sdelay $0x3  }
0x34: {  	[smem:$0x3FB8] =	sst s10  }
0x35: {  	s10 =	sld [smem:$0x3FB7];
	_ =	sdelay $0x3  }
0x36: {  	p1 =	seq.s32 s10, $0x1;
	s10 =	sld [smem:$0x3FB8];
	_ =	sdelay $0x3  }
0x37: {  	[smem:$0x3FB8] =	sst s10  }
0x38: {  	s10 =	sld [smem:$0x3FB9]  }
0x39: {  	_ = 	snop;
	(pc) =	sbr.ind lr, $3  }
0x3a: {  	_ = 	snop  }
0x3b: {  	_ = 	snop  }
0x3c: {  	p2 =	seq.s32 s10, $0x1;
	s10 =	sld [smem:$0x3FB8]  }
0x3d: {  	_ =	shalt  }
0x3e: {  	_ =	shalt  }
0x3f: {  	_ =	shalt  }
0x40: {  	_ =	shalt  }
0x41: {  	_ =	shalt  }
0x42: {  	_ =	shalt  }
0x43: {  	_ =	shalt  }
0x44: {  	_ =	shalt  }
0x45: {  	_ =	shalt  }
0x46: {  	_ =	shalt  }
0x47: {  	_ =	shalt  }
0x48: {  	_ =	shalt  }
0x49: {  	_ =	shalt  }
0x4a: {  	_ =	shalt  }
0x4b: {  	_ =	shalt  }
0x4c: {  	_ =	shalt  }
0x4d: {  	_ =	shalt  }
0x4e: {  	_ =	shalt  }
0x4f: {  	_ =	shalt  }
0x50: {  	_ =	shalt  }
0x51: {  	_ =	shalt  }
0x52: {  	_ =	shalt  }
0x53: {  	_ =	shalt  }
0x54: {  	_ =	shalt  }
0x55: {  	_ =	shalt  }
0x56: {  	_ =	shalt  }
0x57: {  	_ =	shalt  }
0x58: {  	_ =	shalt  }
0x59: {  	_ =	shalt  }
0x5a: {  	_ =	shalt  }
0x5b: {  	_ =	shalt  }
0x5c: {  	_ =	shalt  }
0x5d: {  	_ =	shalt  }
0x5e: {  	_ =	shalt  }
0x5f: {  	_ =	shalt  }
0x60: {  	_ =	shalt  }
0x61: {  	_ =	shalt  }
0x62: {  	_ =	shalt  }
0x63: {  	_ =	shalt  }
0x64: {  	_ =	shalt  }
0x65: {  	_ =	shalt  }
0x66: {  	_ =	shalt  }
0x67: {  	_ =	shalt  }
0x68: {  	_ =	shalt  }
0x69: {  	_ =	shalt  }
0x6a: {  	_ =	shalt  }
0x6b: {  	_ =	shalt  }
0x6c: {  	_ =	shalt  }
0x6d: {  	_ =	shalt  }
0x6e: {  	_ =	shalt  }
0x6f: {  	_ =	shalt  }
0x70: {  	_ =	shalt  }
0x71: {  	_ =	shalt  }
0x72: {  	_ =	shalt  }
0x73: {  	_ =	shalt  }
0x74: {  	_ =	shalt  }
0x75: {  	_ =	shalt  }
0x76: {  	_ =	shalt  }
0x77: {  	_ =	shalt  }
0x78: {  	_ =	shalt  }
0x79: {  	_ =	shalt  }
0x7a: {  	_ =	shalt  }
0x7b: {  	_ =	shalt  }
0x7c: {  	_ =	shalt  }
0x7d: {  	_ =	shalt  }
0x7e: {  	_ =	shalt  }
0x7f: {  	_ =	shalt  }
0x80: {  	_ =	shalt  }
0x81: {  	_ =	shalt  }
0x82: {  	_ =	shalt  }
0x83: {  	_ =	shalt  }
0x84: {  	_ =	shalt  }
0x85: {  	_ =	shalt  }
0x86: {  	_ =	shalt  }
0x87: {  	_ =	shalt  }
.Lfunc_end0:
.L_simem_size_0:
called_computation_lowered:
.L_overlay_start_0:
0x88: {  	s0 =	sld [smem:$0x3FD9]  }
0x89: {  	s1 =	sld [smem:$0x3FFE];
	_ =	sdelay $0x3  }
0x8a: {  	s0 =	sadd.s32 s1, s0  }
0x8b: {  	[smem:$0x3FC4] =	sst s0  }
0x8c: {  	_ = 	snop  }
0x8d: {  	s0 =	sld [smem:$0x3FC8]  }
0x8e: {  	s16 =	sld [smem:$0x3FC7]  }
0x8f: {  	s2 =	sld [smem:$0x3FC6];
	(tm) =	ssettm $0x1  }
0x90: {  	s3 =	sld [smem:$0x3FFB];
	_ =	sdelay $0x3  }
0x91: {  	_ =	strace s3  }
0x92: {  	s3 =	sld [smem:$0x3FFC];
	_ =	sdelay $0x3  }
0x93: {  	_ =	strace s3  }
0x94: {  	s3 =	sld [smem:$0x3FFD];
	_ =	sdelay $0x3  }
0x95: {  	_ =	strace s3  }
0x96: {  	_ =	strace $0x8FFFFFFF  }
0x97: {  	s17 =	sld [smem:$0x3FDB];
	_ =	sdelay $0x1  }
0x98: {  	s4 =	simm.s32 $_scs_section_size  }
0x99: {  	s5 =	simm.s32 $_size__tile_overlayer_lowered;
	s6 =	simm.s32 $_tile_overlayer_lowered  }
0x9a: {  	s20 =	simm.s32 $0x1BFF;
	s19 =	sshll.u32 s6, $0x1;
	s3 =	sadd.s32 s4, s17  }
0x9b: {  	s7 =	simm.s32 $0x0;
	s18 =	sshll.u32 s5, $0x1;
	s5 =	sadd.s32 s19, s3  }
0x9c: {  	[timem:s7], [sflag:s20] =	dma.local [hbm:s5], s18  }
0x9d: {  	_ =	swait.ge [sflag:s20], s18  }
0x9e: {  	s4 =	ssub.s32 $0x0, s18;
	[sflag:s20] =	ssyncset.done $0x0  }
0x9f: {  	[sflag:s20] =	ssyncadd.s32 s4;
	_ =	sdelay $0x1  }
0xa0: {  	s21 =	simm.s32 $0x1B8B  }
0xa1: {  	_ =	swait.ge [sflag:s21], $0x1  }
0xa2: {  	[sflag:s21] =	ssyncset.done $0x0  }
0xa3: {  	s23 =	simm.s32 $0x1B8E;
	s22 =	sld [smem:$0x3FFE];
	[sflag:s21] =	ssyncadd.s32 $0xFFFFFFFF  }
0xa4: {  	s24 =	simm.s32 $execute0_lowered;
	[smem:$0x3FD2] =	sst s23  }
0xa5: {  	s5 =	sshll.u32 s24, $0x1;
	_ =	strace $0x80000046;
	[dreg:$0x1] =	wrdreg $0xFFFFFFFF  }
0xa6: {  	s25 =	simm.s32 $_size_execute0_lowered;
	s3 =	sadd.s32 s3, s5;
	[dreg:$0x0] =	wrdreg $0x0  }
0xa7: {  	s5 =	sshll.u32 s25, $0x1;
	[dreg:$0x2] =	wrdreg s3  }
0xa8: {  	[dreg:$0x3] =	wrdreg s5  }
0xa9: {  	[dreg:$0x4] =	wrdreg $0xC0  }
0xaa: {  	_ =	task [dreg:s7], $0x5FFFF  }
0xab: {  	[dreg:$0x1] =	wrdreg $0xFFFFFFFF  }
0xac: {  	[dreg:$0x0] =	wrdreg $0x60  }
0xad: {  	[dreg:$0x2] =	wrdreg s22  }
0xae: {  	[dreg:$0x3] =	wrdreg s0  }
0xaf: {  	[dreg:$0x4] =	wrdreg s16  }
0xb0: {  	[dreg:$0x5] =	wrdreg s2  }
0xb1: {  	[dreg:$0x6] =	wrdreg $0x9  }
0xb2: {  	_ =	task.clear_ibuf [dreg:s7], $0x7FFFF;
	_ =	strace $0x90000046  }
0xb3: {  	s26 =	simm.s32 $0x9;
	_ =	strace $0x80000048  }
0xb4: {  	_ =	swait.ge [sflag:s26], $0x1  }
0xb5: {  	[sflag:s26] =	ssyncadd.s32 $0xFFFFFFFF  }
0xb6: {  	_ =	strace $0x90000048  }
0xb7: {  	_ =	sfence  }
0xb8: {  	s28 =	sld [smem:$0x0];
	_ =	sdelay $0x1  }
0xb9: {  	s29 =	srdreg.scid  }
0xba: {  	s30 =	sshll.u32 s29, $0xD;
	s31 =	sshrl.u32 s29, $0x2  }
0xbb: {  	s1 =	sand.u32 $0x1, s29;
	s2 =	sand.u32 $0x4000, s30;
	s0 =	sadd.s32 s31, s28  }
0xbc: {  	s1 =	sor.u32 s2, s1;
	s0 =	sshll.u32 s0, $0x11  }
0xbd: {  	s0 =	sor.u32 s0, s1  }
0xbe: {  	s0 =	sadd.s32 $0x8F2B, s0  }
0xbf: {  	[sflag:s0] =	ssyncadd.remote.s32 $0x1  }
0xc0: {  	_ =	sfence.sel $0xFFFF  }
0xc1: {  	[dreg:$0x0] =	wrdreg $0xFFFFFFFF;
	(pc) =	sbr.abs _section_cstart, $3  }
0xc2: {  	[dreg:$0x1] =	wrdreg $0xFFFFFFFF  }
0xc3: {  	_ =	task.clear_ibuf [dreg:s7], $0x2FFFF;
	_ =	strace $0x9FFFFFFF  }
0xc4: {  	(tm) =	ssettm $0x7FFFFFFF  }
0xc5: {  	_ =	shalt  }
tec
execute0_lowered:
.L_overlay_start_1:
0x0: {  	(tag) =	ssettag $0x1  }
0x1: {  	s7 =	rddreg [dreg:$0x0];
	s0 =	stileid.u32  }
0x2: {  	s3 =	rddreg [dreg:$0x1];
	s2 =	smul.u32 $0x1900, s0  }
0x3: {  	s4 =	rddreg [dreg:$0x2]  }
0x4: {  	s5 =	rddreg [dreg:$0x3];
	s6 =	simm.s32 $0x0;
	s2 =	smin.u32 s2, $0x16DA0  }
0x5: {  	[smem:$0x7FF] =	sst s6;
	s2 =	sshrl.u32 s2, $0x3  }
0x6: {  	s1 =	rddreg [dreg:$0x4];
	_ =	strace $0x80000047;
	s3 =	sadd.s32 s3, s2  }
0x7: {  	[tilespmem:s6], [sflag:$0x1] =	stream.linear.gather [hbm4b:s3+s6], $0x1900, $0x38;
	[tilespmem:$0x4C00] =	vst v63  }
0x8: {  	s8 =	simm.s32 $0x1900;
	s29 =	sadd.s32 s7, s2  }
0x9: {  	[tilespmem:s8], [sflag:$0x1] =	stream.linear.gather [hbm4b:s29+s6], $0x1900, $0x38;
	[tilespmem:$0x4C00] =	vst v63  }
0xa: {  	s3 =	simm.s32 $0x4B00  }
0xb: {  	[tilespmem:s3], [sflag:$0x1] =	stream.linear.gather [hbm4b:s4+s6], $0x80, $0x38;
	[tilespmem:$0x4C00] =	vst v63  }
0xc: {  	s30 =	simm.s32 $0x1;
	s4 =	simm.s32 $0x4B80  }
0xd: {  	[tilespmem:s4], [sflag:$0x1] =	stream.linear.gather [hbm4b:s5+s6], $0x80, $0x38;
	[tilespmem:$0x4C00] =	vst v63  }
0xe: {  	_ =	swait.ge [sflag:s30], $0x1900  }
0xf: {  	[sflag:s30] =	ssyncset.done $0x0  }
0x10: {  	[sflag:s30] =	ssyncadd.s32 $0xFFFFE700  }
0x11: {  	_ =	swait.ge [sflag:s30], $0x1900  }
0x12: {  	[sflag:s30] =	ssyncset.done $0x0  }
0x13: {  	[sflag:s30] =	ssyncadd.s32 $0xFFFFE700  }
0x14: {  	_ =	swait.ge [sflag:s30], $0x80  }
0x15: {  	[sflag:s30] =	ssyncset.done $0x0  }
0x16: {  	[sflag:s30] =	ssyncadd.s32 $0xFFFFFF80  }
0x17: {  	_ =	swait.ge [sflag:s30], $0x80  }
0x18: {  	[sflag:s30] =	ssyncset.done $0x0  }
0x19: {  	s31 =	simm.s32 $0x40;
	[sflag:s30] =	ssyncadd.s32 $0xFFFFFF80  }
0x1a: {  	v0 =	vld [tilespmem:s31+$0x30]  }
0x1b: {  	v1 =	vld [tilespmem:s31+$0xFFFFFFD0]  }
0x1c: {  	v2 =	vld [tilespmem:s31+$0xFFFFFFE0]  }
0x1d: {  	v3 =	vld [tilespmem:s31+$0xFFFFFFF0]  }
0x1e: {  	v5 =	vld [tilespmem:s31+$0x0]  }
0x1f: {  	v9 =	vld [tilespmem:s31+$0x10]  }
0x20: {  	v11 =	vld [tilespmem:s31+$0x20]  }
0x21: {  	s5 =	simm.s32 $0x1940;
	v4 =	vld [tilespmem:s31+$0xFFFFFFC0]  }
0x22: {  	v7 =	vld [tilespmem:s5+$0x30]  }
0x23: {  	v18 =	vld [tilespmem:s5+$0xFFFFFFC0]  }
0x24: {  	v19 =	vld [tilespmem:s5+$0xFFFFFFD0]  }
0x25: {  	v20 =	vld [tilespmem:s5+$0xFFFFFFE0]  }
0x26: {  	v21 =	vld [tilespmem:s5+$0xFFFFFFF0]  }
0x27: {  	v22 =	vld [tilespmem:s5+$0x0]  }
0x28: {  	v23 =	vld [tilespmem:s5+$0x10]  }
0x29: {  	v24 =	vld [tilespmem:s5+$0x20]  }
0x2a: {  	v6 =	vld.idx.msk [tilespmem:v0+s3+$0x0], $0xffff  }
0x2b: {  	v0 =	vld.idx.msk [tilespmem:v0+s4+$0x0], $0xffff  }
0x2c: {  	v8 =	vld.idx.msk [tilespmem:v1+s3+$0x0], $0xffff  }
0x2d: {  	v12 =	vld.idx.msk [tilespmem:v2+s3+$0x0], $0xffff  }
0x2e: {  	v13 =	vld.idx.msk [tilespmem:v3+s3+$0x0], $0xffff  }
0x2f: {  	v14 =	vld.idx.msk [tilespmem:v5+s3+$0x0], $0xffff  }
0x30: {  	v15 =	vld.idx.msk [tilespmem:v4+s3+$0x0], $0xffff  }
0x31: {  	v16 =	vld.idx.msk [tilespmem:v9+s3+$0x0], $0xffff  }
0x32: {  	v17 =	vld.idx.msk [tilespmem:v11+s3+$0x0], $0xffff  }
0x33: {  	v25 =	vld.idx.msk [tilespmem:v4+s4+$0x0], $0xffff  }
0x34: {  	v10 =	vld.idx.msk [tilespmem:v1+s4+$0x0], $0xffff  }
0x35: {  	v2 =	vld.idx.msk [tilespmem:v2+s4+$0x0], $0xffff  }
0x36: {  	v9 =	vld.idx.msk [tilespmem:v9+s4+$0x0], $0xffff;
	v4 =	vmul.f32 v7, v6  }
0x37: {  	v11 =	vld.idx.msk [tilespmem:v11+s4+$0x0], $0xffff;
	v15 =	vmul.f32 v18, v15  }
0x38: {  	v8 =	vmul.f32 v19, v8;
	v6 =	vmul.f32 v21, v13;
	v0 =	vadd.f32 v4, v0;
	v4 =	vld.idx.msk [tilespmem:v3+s4+$0x0], $0xffff  }
0x39: {  	s6 =	simm.s32 $0x3240;
	v7 =	vld.idx.msk [tilespmem:v5+s4+$0x0], $0xffff;
	v1 =	vmul.f32 v22, v14;
	v5 =	vmul.f32 v23, v16  }
0x3a: {  	s9 =	simm.s32 $0xC0;
	s7 =	sadd.s32 $0x3200, s7;
	s8 =	simm.s32 $0x0;
	v3 =	vmul.f32 v20, v12;
	v12 =	vadd.f32 v15, v25;
	[tilespmem:s6+$0x30] =	vst v0;
	v0 =	vmul.f32 v24, v17  }
.LBB2_1:
0x3b: {  	v13 =	vld [tilespmem:s9+$0x30];
	s8 =	sadd.s32 $0x80, s8;
	v8 =	vadd.f32 v8, v10  }
0x3c: {  	v2 =	vadd.f32 v3, v2;
	v10 =	vld [tilespmem:s9+$0xFFFFFFD0];
	p0 =	slt.u32 s8, $0x1880;
	[tilespmem:s6+$0xFFFFFFC0] =	vst v12  }
0x3d: {  	v3 =	vadd.f32 v6, v4;
	v12 =	vld [tilespmem:s9+$0xFFFFFFE0];
	[tilespmem:s6+$0xFFFFFFD0] =	vst v8  }
0x3e: {  	v1 =	vadd.f32 v1, v7;
	v4 =	vld [tilespmem:s9+$0xFFFFFFF0];
	[tilespmem:s6+$0xFFFFFFE0] =	vst v2  }
0x3f: {  	v2 =	vadd.f32 v5, v9;
	v7 =	vld [tilespmem:s9+$0x0];
	[tilespmem:s6+$0xFFFFFFF0] =	vst v3  }
0x40: {  	v0 =	vadd.f32 v0, v11;
	v9 =	vld [tilespmem:s9+$0x10];
	[tilespmem:s6+$0x0] =	vst v1  }
0x41: {  	v11 =	vld [tilespmem:s9+$0x20];
	[tilespmem:s6+$0x10] =	vst v2  }
0x42: {  	v1 =	vld [tilespmem:s9+$0xFFFFFFC0];
	[tilespmem:s6+$0x20] =	vst v0  }
0x43: {  	s5 =	sadd.s32 $0x80, s5;
	v0 =	vld.idx.msk [tilespmem:v13+s3+$0x0], $0xffff  }
0x44: {  	v2 =	vld [tilespmem:s5+$0x30]  }
0x45: {  	v3 =	vld.idx.msk [tilespmem:v13+s4+$0x0], $0xffff  }
0x46: {  	v5 =	vld.idx.msk [tilespmem:v10+s3+$0x0], $0xffff  }
0x47: {  	v6 =	vld.idx.msk [tilespmem:v12+s3+$0x0], $0xffff  }
0x48: {  	v13 =	vld.idx.msk [tilespmem:v4+s3+$0x0], $0xffff  }
0x49: {  	v14 =	vld.idx.msk [tilespmem:v7+s3+$0x0], $0xffff;
	v0 =	vmul.f32 v2, v0  }
0x4a: {  	v2 =	vld.idx.msk [tilespmem:v1+s3+$0x0], $0xffff  }
0x4b: {  	v15 =	vld.idx.msk [tilespmem:v9+s3+$0x0], $0xffff;
	v0 =	vadd.f32 v0, v3  }
0x4c: {  	s6 =	sadd.s32 $0x80, s6;
	v16 =	vld.idx.msk [tilespmem:v11+s3+$0x0], $0xffff  }
0x4d: {  	v3 =	vld [tilespmem:s5+$0xFFFFFFC0];
	[tilespmem:s6+$0x30] =	vst v0  }
0x4e: {  	v0 =	vld [tilespmem:s5+$0xFFFFFFD0]  }
0x4f: {  	v17 =	vld [tilespmem:s5+$0xFFFFFFE0]  }
0x50: {  	v18 =	vld [tilespmem:s5+$0xFFFFFFF0]  }
0x51: {  	v19 =	vld [tilespmem:s5+$0x0]  }
0x52: {  	v20 =	vmul.f32 v3, v2;
	v21 =	vld [tilespmem:s5+$0x10]  }
0x53: {  	v8 =	vmul.f32 v0, v5;
	v0 =	vld [tilespmem:s5+$0x20]  }
0x54: {  	v22 =	vld.idx.msk [tilespmem:v1+s4+$0x0], $0xffff;
	v3 =	vmul.f32 v17, v6  }
0x55: {  	v10 =	vld.idx.msk [tilespmem:v10+s4+$0x0], $0xffff;
	v6 =	vmul.f32 v18, v13  }
.Ltmp0:
0x56: {  	v2 =	vld.idx.msk [tilespmem:v12+s4+$0x0], $0xffff;
	v1 =	vmul.f32 v19, v14;
	(pc) =	sbr.rel @p0 .LBB2_1-.Ltmp0, $4  }
0x57: {  	v4 =	vld.idx.msk [tilespmem:v4+s4+$0x0], $0xffff;
	v5 =	vmul.f32 v21, v15  }
0x58: {  	v7 =	vld.idx.msk [tilespmem:v7+s4+$0x0], $0xffff;
	v0 =	vmul.f32 v0, v16  }
0x59: {  	v9 =	vld.idx.msk [tilespmem:v9+s4+$0x0], $0xffff  }
0x5a: {  	s9 =	sadd.s32 $0x80, s9;
	v12 =	vadd.f32 v20, v22;
	v11 =	vld.idx.msk [tilespmem:v11+s4+$0x0], $0xffff  }
0x5b: {  	v8 =	vadd.f32 v8, v10  }
0x5c: {  	v2 =	vadd.f32 v3, v2;
	[tilespmem:s6+$0xFFFFFFC0] =	vst v12  }
0x5d: {  	v62 =	vadd.f32 v6, v4;
	[tilespmem:s6+$0xFFFFFFD0] =	vst v8  }
0x5e: {  	[tilespmem:s6+$0xFFFFFFE0] =	vst v2;
	v1 =	vadd.f32 v1, v7  }
0x5f: {  	[tilespmem:s6+$0xFFFFFFF0] =	vst v62;
	v63 =	vadd.f32 v5, v9  }
0x60: {  	[tilespmem:s6+$0x0] =	vst v1;
	v0 =	vadd.f32 v0, v11  }
0x61: {  	s2 =	sadd.s32 s7, s2;
	[tilespmem:s6+$0x10] =	vst v63  }
0x62: {  	s3 =	simm.s32 $0x0;
	s4 =	simm.s32 $0x3200;
	s31 =	simm.s32 $0x2;
	[tilespmem:s6+$0x20] =	vst v0  }
0x63: {  	[hbm4b:s2+s3] =	stream.linear.scatter [tilespmem:s4], [sflag:$0x2], $0x1900, $0x38;
	[tilespmem:$0x4C00] =	vst v63  }
0x64: {  	_ =	swait.ge [sflag:s31], $0x1900  }
0x65: {  	[sflag:s31] =	ssyncset.done $0x0  }
0x66: {  	[sflag:s31] =	ssyncadd.s32 $0xFFFFE700  }
0x67: {  	_ =	sfence.sel $0x180000  }
0x68: {  	[bflag:$0x0] =	sbarrier.arrive $0xFFFF  }
0x69: {  	p0 =	sne.s32 s0, $0x0;
	_ =	strace $0x90000047  }
0x6a: {  	s0 =	sadd.s32 @!p0 $0x100000, s1;
	[bflag:$0x2] =	sbarrier.arrive $0xFFFF  }
0x6b: {  	[sflag:s0] =	ssyncadd.tile.s32 @!p0 $0x1;
	_ =	shalt  }
.Lfunc_end2:
_tile_overlayer_lowered:
.L_overlay_start_2:
0x6c: {  	(tag) =	ssettag $0x2  }
0x6d: {  	s0 =	rddreg [dreg:$0x0];
	s2 =	stileid.u32  }
0x6e: {  	s1 =	rddreg [dreg:$0x1];
	p0 =	sne.s32 s2, $0x0  }
0x6f: {  	s3 =	rddreg [dreg:$0x2];
	[bflag:$0x3] =	sbarrier.arrive $0xFFFF;
	s2 =	simm.s32 @!p0 $0x1C02  }
0x70: {  	[timem:s3], [sflag:s2] =	dma.local @!p0 [hbm:s0], s1  }
0x71: {  	s0 =	simm.s32 @!p0 $0x2  }
0x72: {  	_ =	swait.ge @!p0 [sflag:s0], s1  }
0x73: {  	s1 =	ssub.s32 @!p0 $0x0, s1;
	[sflag:s0] =	ssyncset.done @!p0 $0x0  }
0x74: {  	[sflag:s0] =	ssyncadd.s32 @!p0 s1  }
0x75: {  	[bflag:$0x3] =	sbarrier.arrive $0xFFFF  }
0x76: {  	_ =	shalt  }

</sc_bundles>
